<compile_context>
chip_gen: v7x
topology: tpu7x:2x2x1
jax: 0.10.2.dev20260603
libtpu: 0.0.44.dev20260713+nightly
codegen_flags: <defaults>
</compile_context>

<pallas_src>
import jax
import jax.numpy as jnp
from jax.experimental import pallas as pl
from jax.experimental.pallas import tpu as pltpu

_PATCH = [
    (0, 1, 0.5),
    (3, 2, 1.5),
    (10, 20, 0.25),
    (100, 200, 2.0),
    (7, 7, 0.1),
    (500, 1000, 0.9),
    (2048, 4095, 1.2),
    (4095, 0, 0.3),
]

_N = 4096
_BLOCK_ROWS = 512


def _body(x_ref, o_ref):
    pid = pl.program_id(0)
    o_ref[...] = x_ref[...] + 1.0
    cols = jax.lax.broadcasted_iota(jnp.int32, (1, _N), 1)
    for i, j, v in _PATCH:
        blk, jl = divmod(j, _BLOCK_ROWS)

        @pl.when(pid == blk)
        def _(jl=jl, i=i, v=v):
            row = x_ref[jl : jl + 1, :]
            o_ref[jl : jl + 1, :] = jnp.where(cols == i, row + v, row + 1.0)


def kernel(X):
    x2d = X.reshape(_N, _N)
    y2d = pl.pallas_call(
        _body,
        grid=(_N // _BLOCK_ROWS,),
        in_specs=[pl.BlockSpec((_BLOCK_ROWS, _N), lambda r: (r, 0))],
        out_specs=pl.BlockSpec((_BLOCK_ROWS, _N), lambda r: (r, 0)),
        out_shape=jax.ShapeDtypeStruct((_N, _N), X.dtype),
        compiler_params=pltpu.CompilerParams(
            dimension_semantics=("parallel",),
        ),
    )(x2d)
    return y2d.reshape(X.shape)

# --- scband reference (transcript-rebuilt; emitter-appended) ---
"""Pipeline reference for scband-induction-59064390254933 (READ-ONLY COPY).

The authoritative reference and input builder live on the scoring server;
editing this copy changes nothing except your own understanding.
"""

import jax, jax.numpy as jnp
import numpy as np

INDUCTION_WEIGHTS = [[0, 1, 0.5], [3, 2, 1.5], [10, 20, 0.25], [100, 200, 2.0], [7, 7, 0.1], [500, 1000, 0.9], [2048, 4095, 1.2], [4095, 0, 0.3]]


def setup_inputs(seed: int = 0) -> dict:
    key = jax.random.key(seed)
    X = jax.random.normal(key, (4096, 4096, 1, 1), dtype=jnp.float32)
    return {"X": X}


def reference(X):
    # Faithful translation of Induction.forward:
    #   induction_matrix = ones_like(X); induction_matrix[j, i, 0, 0] = v for each (i, j, v)
    #   y = X + induction_matrix
    M = jnp.ones_like(X)
    ii = jnp.array([w[0] for w in INDUCTION_WEIGHTS], dtype=jnp.int32)
    jj = jnp.array([w[1] for w in INDUCTION_WEIGHTS], dtype=jnp.int32)
    vv = jnp.array([w[2] for w in INDUCTION_WEIGHTS], dtype=jnp.float32)
    # scatter-overwrite at positions [j, i, 0, 0]
    M = M.at[jj, ii, 0, 0].set(vv)
    y = X + M
    return y

if __name__ == "__main__":
    import jax
    _d = setup_inputs()
    print(jax.jit(kernel)(*tuple(_d.values())))

</pallas_src>

<mosaic_0001>
module attributes {stable_mosaic.version = 14 : i64} {
  func.func @_body(%arg0: i32, %arg1: memref<512x4096xf32, #tpu.memory_space<vmem>>, %arg2: memref<512x4096xf32, #tpu.memory_space<vmem>>) attributes {dimension_semantics = [#tpu.dimension_semantics<parallel>], iteration_bounds = array<i64: 8>, scalar_prefetch = 0 : i64, scratch_operands = 0 : i64, tpu.core_type = #tpu.core_type<tc>, window_params = [{transform_indices = @transform_0, window_bounds = array<i64: 512, 4096>}, {transform_indices = @transform_1, window_bounds = array<i64: 512, 4096>}]} {
    %get3A = arith.constant 0 : index
    %get3A_0 = arith.constant 0 : index
    %get3A_1 = vector.load %arg1[%get3A, %get3A_0] : memref<512x4096xf32, #tpu.memory_space<vmem>>, vector<512x4096xf32>
    %add3A = arith.constant 1.000000e+00 : f32
    %add3A_2 = vector.broadcast %add3A : f32 to vector<512x4096xf32>
    %add3A_3 = arith.addf %get3A_1, %add3A_2 : vector<512x4096xf32>
    %swap3A = arith.constant 0 : index
    %swap3A_4 = arith.constant 0 : index
    %swap3A_5 = vector.load %arg2[%swap3A, %swap3A_4] : memref<512x4096xf32, #tpu.memory_space<vmem>>, vector<512x4096xf32>
    tpu.vector_store %arg2[%swap3A, %swap3A_4], %add3A_3 {strides = array<i32>} : memref<512x4096xf32, #tpu.memory_space<vmem>>, vector<512x4096xf32>,
    %iota3A = tpu.iota {dimensions = array<i32: 1>} : vector<1x4096xi32>
    %eq3A = arith.constant 0 : i32
    %eq3A_6 = arith.cmpi eq, %arg0, %eq3A : i32
    %convert_element_type3A = arith.extui %eq3A_6 : i1 to i32
    %cond3A = arith.constant 0 : i32
    %cond3A_7 = arith.cmpi ne, %convert_element_type3A, %cond3A : i32
    scf.if %cond3A_7 {
      %get3A_43 = arith.constant 1 : index
      %get3A_44 = arith.constant 0 : index
      %get3A_45 = vector.load %arg1[%get3A_43, %get3A_44] : memref<512x4096xf32, #tpu.memory_space<vmem>>, vector<1x4096xf32>
      %eq3A_46 = arith.constant 0 : i32
      %eq3A_47 = vector.broadcast %eq3A_46 : i32 to vector<1x4096xi32>
      %eq3A_48 = arith.cmpi eq, %iota3A, %eq3A_47 : vector<1x4096xi32>
      %add3A_49 = arith.constant 5.000000e-01 : f32
      %add3A_50 = vector.broadcast %add3A_49 : f32 to vector<1x4096xf32>
      %add3A_51 = arith.addf %get3A_45, %add3A_50 : vector<1x4096xf32>
      %add3A_52 = arith.constant 1.000000e+00 : f32
      %add3A_53 = vector.broadcast %add3A_52 : f32 to vector<1x4096xf32>
      %add3A_54 = arith.addf %get3A_45, %add3A_53 : vector<1x4096xf32>
      %select_n3A = arith.select %eq3A_48, %add3A_51, %add3A_54 : vector<1x4096xi1>, vector<1x4096xf32>
      %swap3A_55 = arith.constant 1 : index
      %swap3A_56 = arith.constant 0 : index
      %swap3A_57 = vector.load %arg2[%swap3A_55, %swap3A_56] : memref<512x4096xf32, #tpu.memory_space<vmem>>, vector<1x4096xf32>
      tpu.vector_store %arg2[%swap3A_55, %swap3A_56], %select_n3A {strides = array<i32>} : memref<512x4096xf32, #tpu.memory_space<vmem>>, vector<1x4096xf32>,
    } else {
    }
    %eq3A_8 = arith.constant 0 : i32
    %eq3A_9 = arith.cmpi eq, %arg0, %eq3A_8 : i32
    %convert_element_type3A_10 = arith.extui %eq3A_9 : i1 to i32
    %cond3A_11 = arith.constant 0 : i32
    %cond3A_12 = arith.cmpi ne, %convert_element_type3A_10, %cond3A_11 : i32
    scf.if %cond3A_12 {
      %get3A_43 = arith.constant 2 : index
      %get3A_44 = arith.constant 0 : index
      %get3A_45 = vector.load %arg1[%get3A_43, %get3A_44] : memref<512x4096xf32, #tpu.memory_space<vmem>>, vector<1x4096xf32>
      %eq3A_46 = arith.constant 3 : i32
      %eq3A_47 = vector.broadcast %eq3A_46 : i32 to vector<1x4096xi32>
      %eq3A_48 = arith.cmpi eq, %iota3A, %eq3A_47 : vector<1x4096xi32>
      %add3A_49 = arith.constant 1.500000e+00 : f32
      %add3A_50 = vector.broadcast %add3A_49 : f32 to vector<1x4096xf32>
      %add3A_51 = arith.addf %get3A_45, %add3A_50 : vector<1x4096xf32>
      %add3A_52 = arith.constant 1.000000e+00 : f32
      %add3A_53 = vector.broadcast %add3A_52 : f32 to vector<1x4096xf32>
      %add3A_54 = arith.addf %get3A_45, %add3A_53 : vector<1x4096xf32>
      %select_n3A = arith.select %eq3A_48, %add3A_51, %add3A_54 : vector<1x4096xi1>, vector<1x4096xf32>
      %swap3A_55 = arith.constant 2 : index
      %swap3A_56 = arith.constant 0 : index
      %swap3A_57 = vector.load %arg2[%swap3A_55, %swap3A_56] : memref<512x4096xf32, #tpu.memory_space<vmem>>, vector<1x4096xf32>
      tpu.vector_store %arg2[%swap3A_55, %swap3A_56], %select_n3A {strides = array<i32>} : memref<512x4096xf32, #tpu.memory_space<vmem>>, vector<1x4096xf32>,
    } else {
    }
    %eq3A_13 = arith.constant 0 : i32
    %eq3A_14 = arith.cmpi eq, %arg0, %eq3A_13 : i32
    %convert_element_type3A_15 = arith.extui %eq3A_14 : i1 to i32
    %cond3A_16 = arith.constant 0 : i32
    %cond3A_17 = arith.cmpi ne, %convert_element_type3A_15, %cond3A_16 : i32
    scf.if %cond3A_17 {
      %get3A_43 = arith.constant 20 : index
      %get3A_44 = arith.constant 0 : index
      %get3A_45 = vector.load %arg1[%get3A_43, %get3A_44] : memref<512x4096xf32, #tpu.memory_space<vmem>>, vector<1x4096xf32>
      %eq3A_46 = arith.constant 10 : i32
      %eq3A_47 = vector.broadcast %eq3A_46 : i32 to vector<1x4096xi32>
      %eq3A_48 = arith.cmpi eq, %iota3A, %eq3A_47 : vector<1x4096xi32>
      %add3A_49 = arith.constant 2.500000e-01 : f32
      %add3A_50 = vector.broadcast %add3A_49 : f32 to vector<1x4096xf32>
      %add3A_51 = arith.addf %get3A_45, %add3A_50 : vector<1x4096xf32>
      %add3A_52 = arith.constant 1.000000e+00 : f32
      %add3A_53 = vector.broadcast %add3A_52 : f32 to vector<1x4096xf32>
      %add3A_54 = arith.addf %get3A_45, %add3A_53 : vector<1x4096xf32>
      %select_n3A = arith.select %eq3A_48, %add3A_51, %add3A_54 : vector<1x4096xi1>, vector<1x4096xf32>
      %swap3A_55 = arith.constant 20 : index
      %swap3A_56 = arith.constant 0 : index
      %swap3A_57 = vector.load %arg2[%swap3A_55, %swap3A_56] : memref<512x4096xf32, #tpu.memory_space<vmem>>, vector<1x4096xf32>
      tpu.vector_store %arg2[%swap3A_55, %swap3A_56], %select_n3A {strides = array<i32>} : memref<512x4096xf32, #tpu.memory_space<vmem>>, vector<1x4096xf32>,
    } else {
    }
    %eq3A_18 = arith.constant 0 : i32
    %eq3A_19 = arith.cmpi eq, %arg0, %eq3A_18 : i32
    %convert_element_type3A_20 = arith.extui %eq3A_19 : i1 to i32
    %cond3A_21 = arith.constant 0 : i32
    %cond3A_22 = arith.cmpi ne, %convert_element_type3A_20, %cond3A_21 : i32
    scf.if %cond3A_22 {
      %get3A_43 = arith.constant 200 : index
      %get3A_44 = arith.constant 0 : index
      %get3A_45 = vector.load %arg1[%get3A_43, %get3A_44] : memref<512x4096xf32, #tpu.memory_space<vmem>>, vector<1x4096xf32>
      %eq3A_46 = arith.constant 100 : i32
      %eq3A_47 = vector.broadcast %eq3A_46 : i32 to vector<1x4096xi32>
      %eq3A_48 = arith.cmpi eq, %iota3A, %eq3A_47 : vector<1x4096xi32>
      %add3A_49 = arith.constant 2.000000e+00 : f32
      %add3A_50 = vector.broadcast %add3A_49 : f32 to vector<1x4096xf32>
      %add3A_51 = arith.addf %get3A_45, %add3A_50 : vector<1x4096xf32>
      %add3A_52 = arith.constant 1.000000e+00 : f32
      %add3A_53 = vector.broadcast %add3A_52 : f32 to vector<1x4096xf32>
      %add3A_54 = arith.addf %get3A_45, %add3A_53 : vector<1x4096xf32>
      %select_n3A = arith.select %eq3A_48, %add3A_51, %add3A_54 : vector<1x4096xi1>, vector<1x4096xf32>
      %swap3A_55 = arith.constant 200 : index
      %swap3A_56 = arith.constant 0 : index
      %swap3A_57 = vector.load %arg2[%swap3A_55, %swap3A_56] : memref<512x4096xf32, #tpu.memory_space<vmem>>, vector<1x4096xf32>
      tpu.vector_store %arg2[%swap3A_55, %swap3A_56], %select_n3A {strides = array<i32>} : memref<512x4096xf32, #tpu.memory_space<vmem>>, vector<1x4096xf32>,
    } else {
    }
    %eq3A_23 = arith.constant 0 : i32
    %eq3A_24 = arith.cmpi eq, %arg0, %eq3A_23 : i32
    %convert_element_type3A_25 = arith.extui %eq3A_24 : i1 to i32
    %cond3A_26 = arith.constant 0 : i32
    %cond3A_27 = arith.cmpi ne, %convert_element_type3A_25, %cond3A_26 : i32
    scf.if %cond3A_27 {
      %get3A_43 = arith.constant 7 : index
      %get3A_44 = arith.constant 0 : index
      %get3A_45 = vector.load %arg1[%get3A_43, %get3A_44] : memref<512x4096xf32, #tpu.memory_space<vmem>>, vector<1x4096xf32>
      %eq3A_46 = arith.constant 7 : i32
      %eq3A_47 = vector.broadcast %eq3A_46 : i32 to vector<1x4096xi32>
      %eq3A_48 = arith.cmpi eq, %iota3A, %eq3A_47 : vector<1x4096xi32>
      %add3A_49 = arith.constant 1.000000e-01 : f32
      %add3A_50 = vector.broadcast %add3A_49 : f32 to vector<1x4096xf32>
      %add3A_51 = arith.addf %get3A_45, %add3A_50 : vector<1x4096xf32>
      %add3A_52 = arith.constant 1.000000e+00 : f32
      %add3A_53 = vector.broadcast %add3A_52 : f32 to vector<1x4096xf32>
      %add3A_54 = arith.addf %get3A_45, %add3A_53 : vector<1x4096xf32>
      %select_n3A = arith.select %eq3A_48, %add3A_51, %add3A_54 : vector<1x4096xi1>, vector<1x4096xf32>
      %swap3A_55 = arith.constant 7 : index
      %swap3A_56 = arith.constant 0 : index
      %swap3A_57 = vector.load %arg2[%swap3A_55, %swap3A_56] : memref<512x4096xf32, #tpu.memory_space<vmem>>, vector<1x4096xf32>
      tpu.vector_store %arg2[%swap3A_55, %swap3A_56], %select_n3A {strides = array<i32>} : memref<512x4096xf32, #tpu.memory_space<vmem>>, vector<1x4096xf32>,
    } else {
    }
    %eq3A_28 = arith.constant 1 : i32
    %eq3A_29 = arith.cmpi eq, %arg0, %eq3A_28 : i32
    %convert_element_type3A_30 = arith.extui %eq3A_29 : i1 to i32
    %cond3A_31 = arith.constant 0 : i32
    %cond3A_32 = arith.cmpi ne, %convert_element_type3A_30, %cond3A_31 : i32
    scf.if %cond3A_32 {
      %get3A_43 = arith.constant 488 : index
      %get3A_44 = arith.constant 0 : index
      %get3A_45 = vector.load %arg1[%get3A_43, %get3A_44] : memref<512x4096xf32, #tpu.memory_space<vmem>>, vector<1x4096xf32>
      %eq3A_46 = arith.constant 500 : i32
      %eq3A_47 = vector.broadcast %eq3A_46 : i32 to vector<1x4096xi32>
      %eq3A_48 = arith.cmpi eq, %iota3A, %eq3A_47 : vector<1x4096xi32>
      %add3A_49 = arith.constant 0.899999976 : f32
      %add3A_50 = vector.broadcast %add3A_49 : f32 to vector<1x4096xf32>
      %add3A_51 = arith.addf %get3A_45, %add3A_50 : vector<1x4096xf32>
      %add3A_52 = arith.constant 1.000000e+00 : f32
      %add3A_53 = vector.broadcast %add3A_52 : f32 to vector<1x4096xf32>
      %add3A_54 = arith.addf %get3A_45, %add3A_53 : vector<1x4096xf32>
      %select_n3A = arith.select %eq3A_48, %add3A_51, %add3A_54 : vector<1x4096xi1>, vector<1x4096xf32>
      %swap3A_55 = arith.constant 488 : index
      %swap3A_56 = arith.constant 0 : index
      %swap3A_57 = vector.load %arg2[%swap3A_55, %swap3A_56] : memref<512x4096xf32, #tpu.memory_space<vmem>>, vector<1x4096xf32>
      tpu.vector_store %arg2[%swap3A_55, %swap3A_56], %select_n3A {strides = array<i32>} : memref<512x4096xf32, #tpu.memory_space<vmem>>, vector<1x4096xf32>,
    } else {
    }
    %eq3A_33 = arith.constant 7 : i32
    %eq3A_34 = arith.cmpi eq, %arg0, %eq3A_33 : i32
    %convert_element_type3A_35 = arith.extui %eq3A_34 : i1 to i32
    %cond3A_36 = arith.constant 0 : i32
    %cond3A_37 = arith.cmpi ne, %convert_element_type3A_35, %cond3A_36 : i32
    scf.if %cond3A_37 {
      %get3A_43 = arith.constant 511 : index
      %get3A_44 = arith.constant 0 : index
      %get3A_45 = vector.load %arg1[%get3A_43, %get3A_44] : memref<512x4096xf32, #tpu.memory_space<vmem>>, vector<1x4096xf32>
      %eq3A_46 = arith.constant 2048 : i32
      %eq3A_47 = vector.broadcast %eq3A_46 : i32 to vector<1x4096xi32>
      %eq3A_48 = arith.cmpi eq, %iota3A, %eq3A_47 : vector<1x4096xi32>
      %add3A_49 = arith.constant 1.200000e+00 : f32
      %add3A_50 = vector.broadcast %add3A_49 : f32 to vector<1x4096xf32>
      %add3A_51 = arith.addf %get3A_45, %add3A_50 : vector<1x4096xf32>
      %add3A_52 = arith.constant 1.000000e+00 : f32
      %add3A_53 = vector.broadcast %add3A_52 : f32 to vector<1x4096xf32>
      %add3A_54 = arith.addf %get3A_45, %add3A_53 : vector<1x4096xf32>
      %select_n3A = arith.select %eq3A_48, %add3A_51, %add3A_54 : vector<1x4096xi1>, vector<1x4096xf32>
      %swap3A_55 = arith.constant 511 : index
      %swap3A_56 = arith.constant 0 : index
      %swap3A_57 = vector.load %arg2[%swap3A_55, %swap3A_56] : memref<512x4096xf32, #tpu.memory_space<vmem>>, vector<1x4096xf32>
      tpu.vector_store %arg2[%swap3A_55, %swap3A_56], %select_n3A {strides = array<i32>} : memref<512x4096xf32, #tpu.memory_space<vmem>>, vector<1x4096xf32>,
    } else {
    }
    %eq3A_38 = arith.constant 0 : i32
    %eq3A_39 = arith.cmpi eq, %arg0, %eq3A_38 : i32
    %convert_element_type3A_40 = arith.extui %eq3A_39 : i1 to i32
    %cond3A_41 = arith.constant 0 : i32
    %cond3A_42 = arith.cmpi ne, %convert_element_type3A_40, %cond3A_41 : i32
    scf.if %cond3A_42 {
      %get3A_43 = arith.constant 0 : index
      %get3A_44 = arith.constant 0 : index
      %get3A_45 = vector.load %arg1[%get3A_43, %get3A_44] : memref<512x4096xf32, #tpu.memory_space<vmem>>, vector<1x4096xf32>
      %eq3A_46 = arith.constant 4095 : i32
      %eq3A_47 = vector.broadcast %eq3A_46 : i32 to vector<1x4096xi32>
      %eq3A_48 = arith.cmpi eq, %iota3A, %eq3A_47 : vector<1x4096xi32>
      %add3A_49 = arith.constant 3.000000e-01 : f32
      %add3A_50 = vector.broadcast %add3A_49 : f32 to vector<1x4096xf32>
      %add3A_51 = arith.addf %get3A_45, %add3A_50 : vector<1x4096xf32>
      %add3A_52 = arith.constant 1.000000e+00 : f32
      %add3A_53 = vector.broadcast %add3A_52 : f32 to vector<1x4096xf32>
      %add3A_54 = arith.addf %get3A_45, %add3A_53 : vector<1x4096xf32>
      %select_n3A = arith.select %eq3A_48, %add3A_51, %add3A_54 : vector<1x4096xi1>, vector<1x4096xf32>
      %swap3A_55 = arith.constant 0 : index
      %swap3A_56 = arith.constant 0 : index
      %swap3A_57 = vector.load %arg2[%swap3A_55, %swap3A_56] : memref<512x4096xf32, #tpu.memory_space<vmem>>, vector<1x4096xf32>
      tpu.vector_store %arg2[%swap3A_55, %swap3A_56], %select_n3A {strides = array<i32>} : memref<512x4096xf32, #tpu.memory_space<vmem>>, vector<1x4096xf32>,
    } else {
    }
    return
  }
  func.func @transform_0(%arg0: i32) -> (i32, i32) {
    %c0_i32 = arith.constant 0 : i32
    %c0_i32_0 = arith.constant 0 : i32
    return %arg0, %c0_i32 : i32, i32
  }
  func.func @transform_1(%arg0: i32) -> (i32, i32) {
    %c0_i32 = arith.constant 0 : i32
    %c0_i32_0 = arith.constant 0 : i32
    return %arg0, %c0_i32 : i32, i32
  }
}

</mosaic_0001>

<sc_bundles>
// kernel: sparse-core-data-format-call.1.cloned.1.call-start
scs
called_computation.1_lowered:
.L_overlay_start_0:
0x0: {  	s2 =	sld [smem:$0x3FD9]  }
0x1: {  	s3 =	sld [smem:$0x3FFE];
	_ =	sdelay $0x1  }
0x2: {  	s1 =	srdreg.scid  }
0x3: {  	s0 =	sand.u32 $0x1, s1  }
0x4: {  	s19 =	sshll.u32 s0, $0xA;
	s2 =	sadd.s32 s3, s2  }
0x5: {  	s2 =	sadd.s32 s2, s19  }
0x6: {  	[smem:$0x3FC7] =	sst s2  }
0x7: {  	_ = 	snop  }
0x8: {  	s2 =	sld [smem:$0x3FC9]  }
0x9: {  	s20 =	sld [smem:$0x3FD0];
	(tm) =	ssettm $0x1  }
0xa: {  	s4 =	sld [smem:$0x3FFB];
	_ =	sdelay $0x3  }
0xb: {  	_ =	strace s4  }
0xc: {  	s4 =	sld [smem:$0x3FFC];
	_ =	sdelay $0x3  }
0xd: {  	_ =	strace s4  }
0xe: {  	s4 =	sld [smem:$0x3FFD];
	_ =	sdelay $0x3  }
0xf: {  	_ =	strace s4  }
0x10: {  	_ =	strace $0x8FFFFFFF  }
0x11: {  	s21 =	sld [smem:$0x3FDB];
	_ =	sdelay $0x1  }
0x12: {  	s5 =	simm.s32 $_scs_section_size  }
0x13: {  	s6 =	simm.s32 $_size__tile_overlayer_lowered;
	s7 =	simm.s32 $_tile_overlayer_lowered  }
0x14: {  	s24 =	simm.s32 $0x1BFF;
	s23 =	sshll.u32 s7, $0x1;
	s4 =	sadd.s32 s5, s21  }
0x15: {  	s8 =	simm.s32 $0x0;
	s22 =	sshll.u32 s6, $0x1;
	s6 =	sadd.s32 s23, s4  }
0x16: {  	[timem:s8], [sflag:s24] =	dma.local [hbm:s6], s22  }
0x17: {  	_ =	swait.ge [sflag:s24], s22  }
0x18: {  	s5 =	ssub.s32 $0x0, s22;
	[sflag:s24] =	ssyncset.done $0x0  }
0x19: {  	[sflag:s24] =	ssyncadd.s32 s5;
	_ =	sdelay $0x1  }
0x1a: {  	s25 =	simm.s32 $0x1B8B  }
0x1b: {  	_ =	swait.ge [sflag:s25], $0x1  }
0x1c: {  	[sflag:s25] =	ssyncset.done $0x0  }
0x1d: {  	s26 =	simm.s32 $0x1B8E;
	[sflag:s25] =	ssyncadd.s32 $0xFFFFFFFF  }
0x1e: {  	s27 =	simm.s32 $execute0_lowered;
	[smem:$0x3FD2] =	sst s26  }
0x1f: {  	s5 =	sshll.u32 s27, $0x1;
	_ =	strace $0x80000046;
	[dreg:$0x1] =	wrdreg $0xFFFFFFFF  }
0x20: {  	s28 =	simm.s32 $_size_execute0_lowered;
	s4 =	sadd.s32 s4, s5;
	[dreg:$0x0] =	wrdreg $0x0  }
0x21: {  	s5 =	sshll.u32 s28, $0x1;
	[dreg:$0x2] =	wrdreg s4  }
0x22: {  	[dreg:$0x3] =	wrdreg s5  }
0x23: {  	[dreg:$0x4] =	wrdreg $0xC0  }
0x24: {  	_ =	task [dreg:s8], $0x5FFFF  }
0x25: {  	[dreg:$0x1] =	wrdreg $0xFFFFFFFF  }
0x26: {  	[dreg:$0x0] =	wrdreg $0x60  }
0x27: {  	[dreg:$0x2] =	wrdreg s2  }
0x28: {  	[dreg:$0x3] =	wrdreg s20  }
0x29: {  	[dreg:$0x4] =	wrdreg $0x9  }
0x2a: {  	_ =	task.clear_ibuf [dreg:s8], $0x5FFFF;
	_ =	strace $0x90000046  }
0x2b: {  	s29 =	simm.s32 $0x9;
	_ =	strace $0x80000048  }
0x2c: {  	_ =	swait.ge [sflag:s29], $0x1  }
0x2d: {  	[sflag:s29] =	ssyncadd.s32 $0xFFFFFFFF  }
0x2e: {  	_ =	strace $0x90000048  }
0x2f: {  	_ =	sfence  }
0x30: {  	s30 =	sld [smem:$0x0];
	_ =	sdelay $0x2  }
0x31: {  	s31 =	sshll.u32 s1, $0xD;
	s1 =	sshrl.u32 s1, $0x2  }
0x32: {  	s3 =	sand.u32 $0x4000, s31;
	s1 =	sadd.s32 s1, s30  }
0x33: {  	s0 =	sor.u32 s3, s0;
	s1 =	sshll.u32 s1, $0x11  }
0x34: {  	s0 =	sor.u32 s1, s0  }
0x35: {  	s0 =	sadd.s32 $0x8F2B, s0  }
0x36: {  	[sflag:s0] =	ssyncadd.remote.s32 $0x1  }
0x37: {  	_ =	sfence.sel $0xFFFF  }
0x38: {  	[dreg:$0x0] =	wrdreg $0xFFFFFFFF;
	(pc) =	sbr.abs _section_cstart, $3  }
0x39: {  	[dreg:$0x1] =	wrdreg $0xFFFFFFFF  }
0x3a: {  	_ =	task.clear_ibuf [dreg:s8], $0x2FFFF;
	_ =	strace $0x9FFFFFFF  }
0x3b: {  	(tm) =	ssettm $0x7FFFFFFF  }
tec
execute0_lowered:
.L_overlay_start_1:
0x0: {  	(tag) =	ssettag $0x1  }
0x1: {  	s0 =	srdreg.scid  }
0x2: {  	s2 =	rddreg [dreg:$0x0];
	s1 =	sshll.u32 s0, $0x4  }
0x3: {  	s4 =	rddreg [dreg:$0x1];
	s0 =	stileid.u32;
	s1 =	sand.u32 $0x10, s1  }
0x4: {  	s7 =	simm.s32 $0x1;
	s8 =	simm.s32 $0x2;
	s1 =	sor.u32 s0, s1  }
0x5: {  	s12 =	simm.s32 $0x0;
	s13 =	simm.s32 $0x0;
	s3 =	sshll.u32 s1, $0x3  }
0x6: {  	s9 =	simm.s32 $0x0;
	s11 =	simm.s32 $0x0;
	s6 =	ssub.s32 $0x1000, s3  }
.Ltmp0:
0x7: {  	s1 =	rddreg [dreg:$0x2];
	s5 =	sand.u32 $0xF8, s6;
	(pc) =	sbr.rel .LBB1_1-.Ltmp0, $4  }
0x8: {  	_ =	strace $0x80000047;
	p0 =	sne.s32 s5, $0x0;
	s5 =	simm.s32 $0x1  }
0x9: {  	s6 =	sshrl.u32 s6, $0x8;
	s7 =	simm.s32 @!p0 $0x0;
	[sflag:s5] =	ssyncpa.u1 $0x0  }
0xa: {  	s10 =	smov.u32 s3;
	s7 =	sadd.s32 s7, s6;
	[sflag:s8] =	ssyncpa.u1 $0x0  }
0xb: {  	s8 =	simm.s32 $0x0;
	s6 =	sshll.u32 s7, $0x1;
	s7 =	sshllo.u32 s7, $0x1  }
.LBB1_7:
0xc: {  	s14 =	sadd.s32 $0x800, s9  }
0xd: {  	s12 =	sadd.s32 $0x100, s10;
	s16 =	smov.u32 s10;
	p1 =	sgt.s32 s14, $0xFFF  }
0xe: {  	s16 =	smov.u32 @p1 s12  }
0xf: {  	s14 =	simm.s32 @p1 $0x0;
	p1 =	sgt.s32 s16, $0xFFF  }
0x10: {  	s16 =	smov.u32 @p1 s3;
	p1 =	sne.s32 s11, s7  }
.Ltmp1:
0x11: {  	p0 =	slt.u32 s11, $0x2;
	(pc) =	sbr.rel @!p1 .LBB1_8-.Ltmp1, $4  }
0x12: {  	s15 =	simm.s32 @!p0 $0x2  }
0x13: {  	s13 =	smov.u32 s10;
	s8 =	sadd.s32 $0x4000, s8;
	_ =	swait.ge @!p0 [sflag:s15], $0x4000  }
0x14: {  	s12 =	smov.u32 s9;
	[sflag:s15] =	ssyncset.done @!p0 $0x0;
	s9 =	smov.u32 s14  }
0x15: {  	s11 =	sadd.s32 $0x1, s11;
	[sflag:s15] =	ssyncadd.s32 @!p0 $0xFFFFC000;
	s10 =	smov.u32 s16  }
.LBB1_1:
0x16: {  	p0 =	sge.u32 s11, s6;
	s31 =	sadd.s32 $0xFFFFFFFF, s11  }
0x17: {  	s14 =	sxor.u32 @!p0 $0xFFFFFFFF, s11;
	s15 =	sshll.u32 @!p0 s10, $0x9;
	s16 =	sshrl.u32 @!p0 s9, $0x3  }
0x18: {  	s17 =	sand.u32 @!p0 $0x7, s9;
	s14 =	sshll.u32 @!p0 s14, $0xE;
	s16 =	sand.u32 @!p0 $0x1FF, s16  }
0x19: {  	s15 =	sadd.s32 @!p0 s2, s15;
	s17 =	sshll.u32 @!p0 s17, $0x12;
	s14 =	sand.u32 @!p0 $0x4000, s14  }
0x1a: {  	s15 =	sadd.s32 @!p0 s16, s15;
	s16 =	sor.u32 @!p0 $0x800, s17;
	s17 =	simm.s32 @!p0 $0x1000  }
0x1b: {  	[tilespmem:s14], [sflag:$0x1] =	stream.strided.gather @!p0 [hbm4b:s15+s16], $0x4000, s17, s16, $0x38;
	[tilespmem:$0x10000] =	vst v63  }
0x1c: {  	p0 =	sge.u32 s31, s6  }
.Ltmp2:
0x1d: {  	_ = 	snop;
	(pc) =	sbr.rel @p0 .LBB1_7-.Ltmp2, $1  }
0x1e: {  	_ =	sdelay $0x3  }
0x1f: {  	s14 =	sand.u32 $0x4000, s8  }
0x20: {  	_ =	swait.ge [sflag:s5], $0x4000;
	s17 =	sshll.u32 s11, $0xE;
	s15 =	sor.u32 $0x100, s14  }
0x21: {  	s16 =	sor.u32 $0x8800, s14;
	[sflag:s5] =	ssyncset.done $0x0;
	s31 =	sand.u32 $0x4000, s17  }
0x22: {  	s17 =	simm.s32 $0x0;
	[sflag:s5] =	ssyncadd.s32 $0xFFFFC000;
	s14 =	sor.u32 $0x8000, s31  }
.LBB1_3:
0x23: {  	v0 =	vld [tilespmem:s15+$0xF0]  }
0x24: {  	v1 =	vld [tilespmem:s15+$0xFFFFFF10]  }
0x25: {  	v2 =	vld [tilespmem:s15+$0xFFFFFF20]  }
0x26: {  	v3 =	vld [tilespmem:s15+$0xFFFFFF30]  }
0x27: {  	v4 =	vld [tilespmem:s15+$0xFFFFFF40]  }
0x28: {  	v5 =	vld [tilespmem:s15+$0xFFFFFF50];
	[tilespmem:s16+$0x470] =	vst v0  }
0x29: {  	[tilespmem:s16+$0xFFFFF810] =	vst v1;
	v0 =	vld [tilespmem:s15+$0xFFFFFF60]  }
0x2a: {  	[tilespmem:s16+$0xFFFFF820] =	vst v2;
	v1 =	vld [tilespmem:s15+$0xFFFFFF70]  }
0x2b: {  	[tilespmem:s16+$0xFFFFF830] =	vst v3;
	v2 =	vld [tilespmem:s15+$0xFFFFFF80]  }
0x2c: {  	[tilespmem:s16+$0xFFFFF840] =	vst v4;
	v3 =	vld [tilespmem:s15+$0xFFFFFF90]  }
0x2d: {  	[tilespmem:s16+$0xFFFFF850] =	vst v5;
	v4 =	vld [tilespmem:s15+$0xFFFFFFA0]  }
0x2e: {  	v5 =	vld [tilespmem:s15+$0xA0];
	[tilespmem:s16+$0xFFFFF860] =	vst v0  }
0x2f: {  	v0 =	vld [tilespmem:s15+$0xFFFFFFB0];
	[tilespmem:s16+$0xFFFFF870] =	vst v1  }
0x30: {  	v1 =	vld [tilespmem:s15+$0xFFFFFFC0];
	[tilespmem:s16+$0xFFFFFC00] =	vst v2  }
0x31: {  	[tilespmem:s16+$0xFFFFFC10] =	vst v3;
	v3 =	vld [tilespmem:s15+$0xFFFFFFE0]  }
0x32: {  	[tilespmem:s16+$0xFFFFFC20] =	vst v4;
	v4 =	vld [tilespmem:s15+$0xFFFFFFF0]  }
0x33: {  	v2 =	vld [tilespmem:s15+$0xFFFFFFD0];
	[tilespmem:s16+$0x420] =	vst v5  }
0x34: {  	[tilespmem:s16+$0xFFFFFC30] =	vst v0;
	v0 =	vld [tilespmem:s15+$0x0]  }
0x35: {  	[tilespmem:s16+$0xFFFFFC40] =	vst v1;
	v1 =	vld [tilespmem:s15+$0x10]  }
0x36: {  	[tilespmem:s16+$0xFFFFFC60] =	vst v3;
	v3 =	vld [tilespmem:s15+$0x30]  }
0x37: {  	[tilespmem:s16+$0xFFFFFC70] =	vst v4;
	v4 =	vld [tilespmem:s15+$0x40]  }
0x38: {  	[tilespmem:s16+$0xFFFFFC50] =	vst v2;
	v2 =	vld [tilespmem:s15+$0x20]  }
0x39: {  	[tilespmem:s16+$0x0] =	vst v0;
	v0 =	vld [tilespmem:s15+$0x50]  }
0x3a: {  	[tilespmem:s16+$0x10] =	vst v1;
	v1 =	vld [tilespmem:s15+$0x60]  }
0x3b: {  	[tilespmem:s16+$0x30] =	vst v3;
	v3 =	vld [tilespmem:s15+$0x80]  }
0x3c: {  	[tilespmem:s16+$0x40] =	vst v4;
	v4 =	vld [tilespmem:s15+$0x90]  }
0x3d: {  	[tilespmem:s16+$0x20] =	vst v2;
	v2 =	vld [tilespmem:s15+$0x70]  }
0x3e: {  	[tilespmem:s16+$0x50] =	vst v0;
	v0 =	vld [tilespmem:s15+$0xB0]  }
0x3f: {  	[tilespmem:s16+$0x60] =	vst v1;
	v1 =	vld [tilespmem:s15+$0xC0]  }
0x40: {  	[tilespmem:s16+$0x400] =	vst v3;
	v3 =	vld [tilespmem:s15+$0xD0]  }
0x41: {  	[tilespmem:s16+$0x410] =	vst v4;
	v4 =	vld [tilespmem:s15+$0xE0]  }
0x42: {  	s19 =	simm.s32 $0x0;
	s20 =	sadd.s32 $0x200, s15;
	s18 =	smov.u32 s16;
	[tilespmem:s16+$0x70] =	vst v2;
	v2 =	vld [tilespmem:s15+$0xFFFFFF00]  }
.LBB1_4:
0x43: {  	v5 =	vld [tilespmem:s20+$0xF0];
	s19 =	sadd.s32 $0x200, s19;
	[tilespmem:s18+$0x430] =	vst v0  }
0x44: {  	v0 =	vld [tilespmem:s20+$0xFFFFFF10];
	p0 =	slt.u32 s19, $0x600;
	[tilespmem:s18+$0x440] =	vst v1  }
0x45: {  	v1 =	vld [tilespmem:s20+$0xFFFFFF20];
	[tilespmem:s18+$0x450] =	vst v3  }
0x46: {  	v3 =	vld [tilespmem:s20+$0xFFFFFF30];
	[tilespmem:s18+$0x460] =	vst v4  }
0x47: {  	v4 =	vld [tilespmem:s20+$0xFFFFFF40];
	[tilespmem:s18+$0xFFFFF800] =	vst v2;
	s18 =	sadd.s32 $0x1000, s18  }
0x48: {  	v2 =	vld [tilespmem:s20+$0xFFFFFF50];
	[tilespmem:s18+$0x470] =	vst v5  }
0x49: {  	[tilespmem:s18+$0xFFFFF810] =	vst v0;
	v0 =	vld [tilespmem:s20+$0xFFFFFF60]  }
0x4a: {  	[tilespmem:s18+$0xFFFFF820] =	vst v1;
	v1 =	vld [tilespmem:s20+$0xFFFFFF70]  }
0x4b: {  	[tilespmem:s18+$0xFFFFF830] =	vst v3;
	v3 =	vld [tilespmem:s20+$0xFFFFFF80]  }
0x4c: {  	[tilespmem:s18+$0xFFFFF840] =	vst v4;
	v4 =	vld [tilespmem:s20+$0xFFFFFF90]  }
0x4d: {  	[tilespmem:s18+$0xFFFFF850] =	vst v2;
	v2 =	vld [tilespmem:s20+$0xFFFFFFA0]  }
0x4e: {  	[tilespmem:s18+$0xFFFFF860] =	vst v0;
	v0 =	vld [tilespmem:s20+$0xFFFFFFB0]  }
0x4f: {  	[tilespmem:s18+$0xFFFFF870] =	vst v1;
	v1 =	vld [tilespmem:s20+$0xFFFFFFC0]  }
0x50: {  	[tilespmem:s18+$0xFFFFFC00] =	vst v3;
	v3 =	vld [tilespmem:s20+$0xFFFFFFD0]  }
0x51: {  	[tilespmem:s18+$0xFFFFFC10] =	vst v4;
	v4 =	vld [tilespmem:s20+$0xFFFFFFE0]  }
0x52: {  	[tilespmem:s18+$0xFFFFFC20] =	vst v2;
	v2 =	vld [tilespmem:s20+$0xFFFFFFF0]  }
0x53: {  	[tilespmem:s18+$0xFFFFFC30] =	vst v0;
	v0 =	vld [tilespmem:s20+$0x0]  }
0x54: {  	[tilespmem:s18+$0xFFFFFC40] =	vst v1;
	v1 =	vld [tilespmem:s20+$0x10]  }
0x55: {  	[tilespmem:s18+$0xFFFFFC50] =	vst v3;
	v3 =	vld [tilespmem:s20+$0x20]  }
0x56: {  	[tilespmem:s18+$0xFFFFFC60] =	vst v4;
	v4 =	vld [tilespmem:s20+$0x30]  }
0x57: {  	[tilespmem:s18+$0xFFFFFC70] =	vst v2;
	v2 =	vld [tilespmem:s20+$0x40]  }
0x58: {  	[tilespmem:s18+$0x0] =	vst v0;
	v0 =	vld [tilespmem:s20+$0x50]  }
0x59: {  	[tilespmem:s18+$0x10] =	vst v1;
	v1 =	vld [tilespmem:s20+$0x60]  }
0x5a: {  	[tilespmem:s18+$0x20] =	vst v3;
	v3 =	vld [tilespmem:s20+$0x70]  }
0x5b: {  	[tilespmem:s18+$0x30] =	vst v4;
	v4 =	vld [tilespmem:s20+$0x80]  }
0x5c: {  	[tilespmem:s18+$0x40] =	vst v2;
	v2 =	vld [tilespmem:s20+$0x90]  }
0x5d: {  	[tilespmem:s18+$0x50] =	vst v0;
	v5 =	vld [tilespmem:s20+$0xA0]  }
.Ltmp3:
0x5e: {  	[tilespmem:s18+$0x60] =	vst v1;
	v0 =	vld [tilespmem:s20+$0xB0];
	(pc) =	sbr.rel @p0 .LBB1_4-.Ltmp3, $4  }
0x5f: {  	[tilespmem:s18+$0x70] =	vst v3;
	v1 =	vld [tilespmem:s20+$0xC0]  }
0x60: {  	[tilespmem:s18+$0x400] =	vst v4;
	v3 =	vld [tilespmem:s20+$0xD0]  }
0x61: {  	[tilespmem:s18+$0x410] =	vst v2;
	v4 =	vld [tilespmem:s20+$0xE0]  }
0x62: {  	v2 =	vld [tilespmem:s20+$0xFFFFFF00];
	[tilespmem:s18+$0x420] =	vst v5;
	s20 =	sadd.s32 $0x200, s20  }
0x63: {  	s17 =	sadd.s32 $0x1, s17  }
0x64: {  	p0 =	sne.s32 s17, $0x8  }
.Ltmp4:
0x65: {  	[tilespmem:s18+$0x430] =	vst v0;
	(pc) =	sbr.rel @p0 .LBB1_3-.Ltmp4, $4  }
0x66: {  	[tilespmem:s18+$0x440] =	vst v1  }
0x67: {  	[tilespmem:s18+$0x450] =	vst v3  }
0x68: {  	[tilespmem:s18+$0x460] =	vst v4  }
0x69: {  	s15 =	sadd.s32 $0x800, s15;
	s16 =	sadd.s32 $0x80, s16;
	[tilespmem:s18+$0xFFFFF800] =	vst v2  }
0x6a: {  	s15 =	sand.u32 $0x78, s12;
	s16 =	sshll.u32 s13, $0xC;
	s29 =	sshll.u32 s13, $0x7  }
0x6b: {  	s17 =	sshll.u32 s12, $0x3;
	s16 =	sand.u32 $0xFF8000, s16;
	s13 =	sand.u32 $0x380, s29  }
0x6c: {  	s16 =	sadd.s32 s16, s17;
	s17 =	sand.u32 $0xC00, s17;
	s13 =	sor.u32 s13, s15  }
.Ltmp5:
0x6d: {  	s30 =	sand.u32 $0xFFF000, s16;
	s13 =	sor.u32 s17, s13;
	(pc) =	sbr.rel .LBB1_7-.Ltmp5, $4  }
0x6e: {  	s13 =	sor.u32 s30, s13  }
0x6f: {  	s13 =	sshrl.u32 s13, $0x3  }
0x70: {  	s31 =	sand.u32 $0x7, s12;
	s13 =	sadd.s32 s4, s13  }
0x71: {  	[hbm4b:s13+s31] =	stream.linear.scatter [tilespmem:s14], [sflag:$0x2], $0x4000, $0x38;
	[tilespmem:$0x10000] =	vst v63  }
.LBB1_8:
0x72: {  	_ =	sfence.sel $0x180000  }
0x73: {  	s2 =	simm.s32 $0x1;
	[bflag:$0x0] =	sbarrier.arrive $0xFFFF  }
0x74: {  	s31 =	simm.s32 $0x2;
	[sflag:s2] =	ssyncpa.u1 $0x1  }
0x75: {  	[sflag:s31] =	ssyncpa.u1 $0x1  }
0x76: {  	p0 =	sne.s32 s0, $0x0;
	_ =	strace $0x90000047  }
0x77: {  	s0 =	sadd.s32 @!p0 $0x100000, s1;
	[bflag:$0x2] =	sbarrier.arrive $0xFFFF  }
0x78: {  	[sflag:s0] =	ssyncadd.tile.s32 @!p0 $0x1;
	_ =	shalt  }
.Lfunc_end1:
_tile_overlayer_lowered:
.L_overlay_start_2:
0x79: {  	(tag) =	ssettag $0x2  }
0x7a: {  	s0 =	rddreg [dreg:$0x0];
	s2 =	stileid.u32  }
0x7b: {  	s1 =	rddreg [dreg:$0x1];
	p0 =	sne.s32 s2, $0x0  }
0x7c: {  	s3 =	rddreg [dreg:$0x2];
	[bflag:$0x3] =	sbarrier.arrive $0xFFFF;
	s2 =	simm.s32 @!p0 $0x1C01  }
0x7d: {  	[timem:s3], [sflag:s2] =	dma.local @!p0 [hbm:s0], s1  }
0x7e: {  	s0 =	simm.s32 @!p0 $0x1  }
0x7f: {  	_ =	swait.ge @!p0 [sflag:s0], s1  }
0x80: {  	s1 =	ssub.s32 @!p0 $0x0, s1;
	[sflag:s0] =	ssyncset.done @!p0 $0x0  }
0x81: {  	[sflag:s0] =	ssyncadd.s32 @!p0 s1  }
0x82: {  	[bflag:$0x3] =	sbarrier.arrive $0xFFFF  }
0x83: {  	_ =	shalt  }

// kernel: sparse-core-data-format-call.cloned.1.call-start
scs
called_computation_lowered:
.L_overlay_start_0:
0x0: {  	s2 =	sld [smem:$0x3FD9]  }
0x1: {  	s3 =	sld [smem:$0x3FFE];
	_ =	sdelay $0x1  }
0x2: {  	s1 =	srdreg.scid  }
0x3: {  	s0 =	sand.u32 $0x1, s1  }
0x4: {  	s18 =	sshll.u32 s0, $0xA;
	s2 =	sadd.s32 s3, s2  }
0x5: {  	s2 =	sadd.s32 s2, s18  }
0x6: {  	[smem:$0x3FC7] =	sst s2  }
0x7: {  	_ = 	snop  }
0x8: {  	s2 =	sld [smem:$0x3FD0];
	(tm) =	ssettm $0x1  }
0x9: {  	s19 =	sld [smem:$0x3FFB];
	_ =	sdelay $0x3  }
0xa: {  	_ =	strace s19  }
0xb: {  	s3 =	sld [smem:$0x3FFC];
	_ =	sdelay $0x3  }
0xc: {  	_ =	strace s3  }
0xd: {  	s3 =	sld [smem:$0x3FFD];
	_ =	sdelay $0x3  }
0xe: {  	_ =	strace s3  }
0xf: {  	_ =	strace $0x8FFFFFFF  }
0x10: {  	s20 =	sld [smem:$0x3FDB];
	_ =	sdelay $0x1  }
0x11: {  	s4 =	simm.s32 $_scs_section_size  }
0x12: {  	s5 =	simm.s32 $_size__tile_overlayer_lowered;
	s6 =	simm.s32 $_tile_overlayer_lowered  }
0x13: {  	s23 =	simm.s32 $0x1BFF;
	s22 =	sshll.u32 s6, $0x1;
	s3 =	sadd.s32 s4, s20  }
0x14: {  	s7 =	simm.s32 $0x0;
	s21 =	sshll.u32 s5, $0x1;
	s5 =	sadd.s32 s22, s3  }
0x15: {  	[timem:s7], [sflag:s23] =	dma.local [hbm:s5], s21  }
0x16: {  	_ =	swait.ge [sflag:s23], s21  }
0x17: {  	s4 =	ssub.s32 $0x0, s21;
	[sflag:s23] =	ssyncset.done $0x0  }
0x18: {  	[sflag:s23] =	ssyncadd.s32 s4;
	_ =	sdelay $0x1  }
0x19: {  	s24 =	simm.s32 $0x1B8B  }
0x1a: {  	_ =	swait.ge [sflag:s24], $0x1  }
0x1b: {  	[sflag:s24] =	ssyncset.done $0x0  }
0x1c: {  	s26 =	simm.s32 $0x1B8E;
	s25 =	sld [smem:$0x3FFE];
	[sflag:s24] =	ssyncadd.s32 $0xFFFFFFFF  }
0x1d: {  	s27 =	simm.s32 $execute0_lowered;
	[smem:$0x3FD2] =	sst s26  }
0x1e: {  	s5 =	sshll.u32 s27, $0x1;
	_ =	strace $0x80000049;
	[dreg:$0x1] =	wrdreg $0xFFFFFFFF  }
0x1f: {  	s28 =	simm.s32 $_size_execute0_lowered;
	s3 =	sadd.s32 s3, s5;
	[dreg:$0x0] =	wrdreg $0x0  }
0x20: {  	s5 =	sshll.u32 s28, $0x1;
	[dreg:$0x2] =	wrdreg s3  }
0x21: {  	[dreg:$0x3] =	wrdreg s5  }
0x22: {  	[dreg:$0x4] =	wrdreg $0xC0  }
0x23: {  	_ =	task [dreg:s7], $0x5FFFF  }
0x24: {  	[dreg:$0x1] =	wrdreg $0xFFFFFFFF  }
0x25: {  	[dreg:$0x0] =	wrdreg $0x60  }
0x26: {  	[dreg:$0x2] =	wrdreg s25  }
0x27: {  	[dreg:$0x3] =	wrdreg s2  }
0x28: {  	[dreg:$0x4] =	wrdreg $0x9  }
0x29: {  	_ =	task.clear_ibuf [dreg:s7], $0x5FFFF;
	_ =	strace $0x90000049  }
0x2a: {  	s29 =	simm.s32 $0x9;
	_ =	strace $0x8000004B  }
0x2b: {  	_ =	swait.ge [sflag:s29], $0x1  }
0x2c: {  	[sflag:s29] =	ssyncadd.s32 $0xFFFFFFFF  }
0x2d: {  	_ =	strace $0x9000004B  }
0x2e: {  	_ =	sfence  }
0x2f: {  	s30 =	sld [smem:$0x0];
	_ =	sdelay $0x2  }
0x30: {  	s31 =	sshll.u32 s1, $0xD;
	s1 =	sshrl.u32 s1, $0x2  }
0x31: {  	s3 =	sand.u32 $0x4000, s31;
	s1 =	sadd.s32 s1, s30  }
0x32: {  	s0 =	sor.u32 s3, s0;
	s1 =	sshll.u32 s1, $0x11  }
0x33: {  	s0 =	sor.u32 s1, s0  }
0x34: {  	s0 =	sadd.s32 $0x8F2B, s0  }
0x35: {  	[sflag:s0] =	ssyncadd.remote.s32 $0x1  }
0x36: {  	_ =	sfence.sel $0xFFFF  }
0x37: {  	[dreg:$0x0] =	wrdreg $0xFFFFFFFF;
	(pc) =	sbr.abs _section_cstart, $3  }
0x38: {  	[dreg:$0x1] =	wrdreg $0xFFFFFFFF  }
0x39: {  	_ =	task.clear_ibuf [dreg:s7], $0x2FFFF;
	_ =	strace $0x9FFFFFFF  }
0x3a: {  	(tm) =	ssettm $0x7FFFFFFF  }
0x3b: {  	_ =	shalt  }
tec
execute0_lowered:
.L_overlay_start_1:
0x0: {  	(tag) =	ssettag $0x1  }
0x1: {  	s0 =	srdreg.scid;
	s4 =	rddreg [dreg:$0x0]  }
0x2: {  	s2 =	rddreg [dreg:$0x1];
	s7 =	simm.s32 $0x1;
	s1 =	sshll.u32 s0, $0x4  }
0x3: {  	s8 =	simm.s32 $0x2;
	s0 =	stileid.u32;
	s1 =	sand.u32 $0x10, s1  }
0x4: {  	s13 =	simm.s32 $0x0;
	s9 =	simm.s32 $0x0;
	s1 =	sor.u32 s0, s1  }
0x5: {  	s14 =	simm.s32 $0x0;
	s10 =	simm.s32 $0x0;
	s3 =	sshll.u32 s1, $0x3  }
0x6: {  	s12 =	simm.s32 $0x0;
	s4 =	sadd.s32 $0x800, s4;
	s6 =	ssub.s32 $0x1000, s3  }
.Ltmp0:
0x7: {  	s1 =	rddreg [dreg:$0x2];
	s5 =	sand.u32 $0xF8, s6;
	(pc) =	sbr.rel .LBB1_1-.Ltmp0, $4  }
0x8: {  	_ =	strace $0x8000004A;
	p0 =	sne.s32 s5, $0x0;
	s5 =	simm.s32 $0x1  }
0x9: {  	s6 =	sshrl.u32 s6, $0x8;
	s7 =	simm.s32 @!p0 $0x0;
	[sflag:s5] =	ssyncpa.u1 $0x0  }
0xa: {  	s11 =	smov.u32 s3;
	s7 =	sadd.s32 s7, s6;
	[sflag:s8] =	ssyncpa.u1 $0x0  }
0xb: {  	s8 =	simm.s32 $0x1000;
	s6 =	sshll.u32 s7, $0x1;
	s7 =	sshllo.u32 s7, $0x1  }
.LBB1_7:
0xc: {  	s15 =	sadd.s32 $0x800, s10  }
0xd: {  	s13 =	sadd.s32 $0x100, s11;
	s17 =	smov.u32 s11;
	p1 =	sgt.s32 s15, $0xFFF  }
0xe: {  	s17 =	smov.u32 @p1 s13  }
0xf: {  	s15 =	simm.s32 @p1 $0x0;
	p1 =	sgt.s32 s17, $0xFFF  }
0x10: {  	s17 =	smov.u32 @p1 s3;
	p1 =	sne.s32 s12, s7  }
.Ltmp1:
0x11: {  	p0 =	slt.u32 s12, $0x2;
	(pc) =	sbr.rel @!p1 .LBB1_8-.Ltmp1, $4  }
0x12: {  	s16 =	simm.s32 @!p0 $0x2  }
0x13: {  	s14 =	smov.u32 s11;
	s9 =	sadd.s32 $0x4000, s9;
	_ =	swait.ge @!p0 [sflag:s16], $0x4000  }
0x14: {  	s13 =	smov.u32 s10;
	[sflag:s16] =	ssyncset.done @!p0 $0x0;
	s10 =	smov.u32 s15  }
0x15: {  	s12 =	sadd.s32 $0x1, s12;
	[sflag:s16] =	ssyncadd.s32 @!p0 $0xFFFFC000;
	s11 =	smov.u32 s17  }
.LBB1_1:
0x16: {  	p0 =	sge.u32 s12, s6  }
0x17: {  	s15 =	sand.u32 @!p0 $0x78, s10;
	s16 =	sshll.u32 @!p0 s11, $0xC;
	s17 =	sshll.u32 @!p0 s11, $0x7  }
0x18: {  	s18 =	sshll.u32 @!p0 s10, $0x3;
	s16 =	sand.u32 @!p0 $0xFF8000, s16;
	s17 =	sand.u32 @!p0 $0x380, s17  }
0x19: {  	s16 =	sadd.s32 @!p0 s16, s18;
	s18 =	sand.u32 @!p0 $0xC00, s18;
	s15 =	sor.u32 @!p0 s17, s15  }
0x1a: {  	s16 =	sand.u32 @!p0 $0xFFF000, s16;
	s15 =	sor.u32 @!p0 s18, s15  }
0x1b: {  	s17 =	sxor.u32 @!p0 $0xFFFFFFFF, s12;
	s15 =	sor.u32 @!p0 s16, s15  }
0x1c: {  	s31 =	sadd.s32 $0xFFFFFFFF, s12;
	s16 =	sshll.u32 @!p0 s17, $0xE;
	s15 =	sshrl.u32 @!p0 s15, $0x3  }
0x1d: {  	s17 =	sand.u32 @!p0 $0x7, s10;
	s16 =	sand.u32 @!p0 $0x4000, s16;
	s15 =	sadd.s32 @!p0 s4, s15  }
0x1e: {  	[tilespmem:s16], [sflag:$0x1] =	stream.linear.gather @!p0 [hbm4b:s15+s17], $0x4000, $0x38;
	[tilespmem:$0x10000] =	vst v63  }
0x1f: {  	p0 =	sge.u32 s31, s6  }
.Ltmp2:
0x20: {  	_ = 	snop;
	(pc) =	sbr.rel @p0 .LBB1_7-.Ltmp2, $1  }
0x21: {  	_ =	sdelay $0x3  }
0x22: {  	s15 =	sand.u32 $0x4000, s9  }
0x23: {  	_ =	swait.ge [sflag:s5], $0x4000;
	s18 =	sshll.u32 s12, $0xE;
	s16 =	sor.u32 $0x8100, s15  }
0x24: {  	s17 =	sor.u32 $0x800, s15;
	[sflag:s5] =	ssyncset.done $0x0;
	s31 =	sand.u32 $0x4000, s18  }
0x25: {  	s18 =	simm.s32 $0x0;
	[sflag:s5] =	ssyncadd.s32 $0xFFFFC000;
	s15 =	sor.u32 $0x8000, s31  }
.LBB1_3:
0x26: {  	v0 =	vld [tilespmem:s17+$0x470]  }
0x27: {  	v1 =	vld [tilespmem:s17+$0xFFFFF810]  }
0x28: {  	v2 =	vld [tilespmem:s17+$0xFFFFF820]  }
0x29: {  	v3 =	vld [tilespmem:s17+$0xFFFFF830]  }
0x2a: {  	v4 =	vld [tilespmem:s17+$0xFFFFF840]  }
0x2b: {  	v5 =	vld [tilespmem:s17+$0xFFFFF850];
	[tilespmem:s16+$0xF0] =	vst v0  }
0x2c: {  	[tilespmem:s16+$0xFFFFFF10] =	vst v1;
	v0 =	vld [tilespmem:s17+$0xFFFFF860]  }
0x2d: {  	[tilespmem:s16+$0xFFFFFF20] =	vst v2;
	v1 =	vld [tilespmem:s17+$0xFFFFF870]  }
0x2e: {  	[tilespmem:s16+$0xFFFFFF30] =	vst v3;
	v2 =	vld [tilespmem:s17+$0xFFFFFC00]  }
0x2f: {  	[tilespmem:s16+$0xFFFFFF40] =	vst v4;
	v3 =	vld [tilespmem:s17+$0xFFFFFC10]  }
0x30: {  	[tilespmem:s16+$0xFFFFFF50] =	vst v5;
	v4 =	vld [tilespmem:s17+$0xFFFFFC20]  }
0x31: {  	v5 =	vld [tilespmem:s17+$0x420];
	[tilespmem:s16+$0xFFFFFF60] =	vst v0  }
0x32: {  	v0 =	vld [tilespmem:s17+$0xFFFFFC30];
	[tilespmem:s16+$0xFFFFFF70] =	vst v1  }
0x33: {  	v1 =	vld [tilespmem:s17+$0xFFFFFC40];
	[tilespmem:s16+$0xFFFFFF80] =	vst v2  }
0x34: {  	[tilespmem:s16+$0xFFFFFF90] =	vst v3;
	v3 =	vld [tilespmem:s17+$0xFFFFFC60]  }
0x35: {  	[tilespmem:s16+$0xFFFFFFA0] =	vst v4;
	v4 =	vld [tilespmem:s17+$0xFFFFFC70]  }
0x36: {  	v2 =	vld [tilespmem:s17+$0xFFFFFC50];
	[tilespmem:s16+$0xA0] =	vst v5  }
0x37: {  	[tilespmem:s16+$0xFFFFFFB0] =	vst v0;
	v0 =	vld [tilespmem:s17+$0x0]  }
0x38: {  	[tilespmem:s16+$0xFFFFFFC0] =	vst v1;
	v1 =	vld [tilespmem:s17+$0x10]  }
0x39: {  	[tilespmem:s16+$0xFFFFFFE0] =	vst v3;
	v3 =	vld [tilespmem:s17+$0x30]  }
0x3a: {  	[tilespmem:s16+$0xFFFFFFF0] =	vst v4;
	v4 =	vld [tilespmem:s17+$0x40]  }
0x3b: {  	[tilespmem:s16+$0xFFFFFFD0] =	vst v2;
	v2 =	vld [tilespmem:s17+$0x20]  }
0x3c: {  	[tilespmem:s16+$0x0] =	vst v0;
	v0 =	vld [tilespmem:s17+$0x50]  }
0x3d: {  	[tilespmem:s16+$0x10] =	vst v1;
	v1 =	vld [tilespmem:s17+$0x60]  }
0x3e: {  	[tilespmem:s16+$0x30] =	vst v3;
	v3 =	vld [tilespmem:s17+$0x400]  }
0x3f: {  	[tilespmem:s16+$0x40] =	vst v4;
	v4 =	vld [tilespmem:s17+$0x410]  }
0x40: {  	[tilespmem:s16+$0x20] =	vst v2;
	v2 =	vld [tilespmem:s17+$0x70]  }
0x41: {  	[tilespmem:s16+$0x50] =	vst v0;
	v0 =	vld [tilespmem:s17+$0x430]  }
0x42: {  	[tilespmem:s16+$0x60] =	vst v1;
	v1 =	vld [tilespmem:s17+$0x440]  }
0x43: {  	[tilespmem:s16+$0x80] =	vst v3;
	v3 =	vld [tilespmem:s17+$0x450]  }
0x44: {  	[tilespmem:s16+$0x90] =	vst v4;
	v4 =	vld [tilespmem:s17+$0x460]  }
0x45: {  	s20 =	simm.s32 $0x0;
	s21 =	sadd.s32 $0x1000, s17;
	s19 =	smov.u32 s16;
	[tilespmem:s16+$0x70] =	vst v2;
	v2 =	vld [tilespmem:s17+$0xFFFFF800]  }
.LBB1_4:
0x46: {  	v5 =	vld [tilespmem:s21+$0x470];
	s20 =	sadd.s32 $0x200, s20;
	[tilespmem:s19+$0xB0] =	vst v0  }
0x47: {  	v0 =	vld [tilespmem:s21+$0xFFFFF810];
	p0 =	slt.u32 s20, $0x600;
	[tilespmem:s19+$0xC0] =	vst v1  }
0x48: {  	v1 =	vld [tilespmem:s21+$0xFFFFF820];
	[tilespmem:s19+$0xD0] =	vst v3  }
0x49: {  	v3 =	vld [tilespmem:s21+$0xFFFFF830];
	[tilespmem:s19+$0xE0] =	vst v4  }
0x4a: {  	v4 =	vld [tilespmem:s21+$0xFFFFF840];
	[tilespmem:s19+$0xFFFFFF00] =	vst v2;
	s19 =	sadd.s32 $0x200, s19  }
0x4b: {  	v2 =	vld [tilespmem:s21+$0xFFFFF850];
	[tilespmem:s19+$0xF0] =	vst v5  }
0x4c: {  	[tilespmem:s19+$0xFFFFFF10] =	vst v0;
	v0 =	vld [tilespmem:s21+$0xFFFFF860]  }
0x4d: {  	[tilespmem:s19+$0xFFFFFF20] =	vst v1;
	v1 =	vld [tilespmem:s21+$0xFFFFF870]  }
0x4e: {  	[tilespmem:s19+$0xFFFFFF30] =	vst v3;
	v3 =	vld [tilespmem:s21+$0xFFFFFC00]  }
0x4f: {  	[tilespmem:s19+$0xFFFFFF40] =	vst v4;
	v4 =	vld [tilespmem:s21+$0xFFFFFC10]  }
0x50: {  	[tilespmem:s19+$0xFFFFFF50] =	vst v2;
	v2 =	vld [tilespmem:s21+$0xFFFFFC20]  }
0x51: {  	[tilespmem:s19+$0xFFFFFF60] =	vst v0;
	v0 =	vld [tilespmem:s21+$0xFFFFFC30]  }
0x52: {  	[tilespmem:s19+$0xFFFFFF70] =	vst v1;
	v1 =	vld [tilespmem:s21+$0xFFFFFC40]  }
0x53: {  	[tilespmem:s19+$0xFFFFFF80] =	vst v3;
	v3 =	vld [tilespmem:s21+$0xFFFFFC50]  }
0x54: {  	[tilespmem:s19+$0xFFFFFF90] =	vst v4;
	v4 =	vld [tilespmem:s21+$0xFFFFFC60]  }
0x55: {  	[tilespmem:s19+$0xFFFFFFA0] =	vst v2;
	v2 =	vld [tilespmem:s21+$0xFFFFFC70]  }
0x56: {  	[tilespmem:s19+$0xFFFFFFB0] =	vst v0;
	v0 =	vld [tilespmem:s21+$0x0]  }
0x57: {  	[tilespmem:s19+$0xFFFFFFC0] =	vst v1;
	v1 =	vld [tilespmem:s21+$0x10]  }
0x58: {  	[tilespmem:s19+$0xFFFFFFD0] =	vst v3;
	v3 =	vld [tilespmem:s21+$0x20]  }
0x59: {  	[tilespmem:s19+$0xFFFFFFE0] =	vst v4;
	v4 =	vld [tilespmem:s21+$0x30]  }
0x5a: {  	[tilespmem:s19+$0xFFFFFFF0] =	vst v2;
	v2 =	vld [tilespmem:s21+$0x40]  }
0x5b: {  	[tilespmem:s19+$0x0] =	vst v0;
	v0 =	vld [tilespmem:s21+$0x50]  }
0x5c: {  	[tilespmem:s19+$0x10] =	vst v1;
	v1 =	vld [tilespmem:s21+$0x60]  }
0x5d: {  	[tilespmem:s19+$0x20] =	vst v3;
	v3 =	vld [tilespmem:s21+$0x70]  }
0x5e: {  	[tilespmem:s19+$0x30] =	vst v4;
	v4 =	vld [tilespmem:s21+$0x400]  }
0x5f: {  	[tilespmem:s19+$0x40] =	vst v2;
	v2 =	vld [tilespmem:s21+$0x410]  }
0x60: {  	[tilespmem:s19+$0x50] =	vst v0;
	v5 =	vld [tilespmem:s21+$0x420]  }
.Ltmp3:
0x61: {  	[tilespmem:s19+$0x60] =	vst v1;
	v0 =	vld [tilespmem:s21+$0x430];
	(pc) =	sbr.rel @p0 .LBB1_4-.Ltmp3, $4  }
0x62: {  	[tilespmem:s19+$0x70] =	vst v3;
	v1 =	vld [tilespmem:s21+$0x440]  }
0x63: {  	[tilespmem:s19+$0x80] =	vst v4;
	v3 =	vld [tilespmem:s21+$0x450]  }
0x64: {  	[tilespmem:s19+$0x90] =	vst v2;
	v4 =	vld [tilespmem:s21+$0x460]  }
0x65: {  	v2 =	vld [tilespmem:s21+$0xFFFFF800];
	[tilespmem:s19+$0xA0] =	vst v5;
	s21 =	sadd.s32 $0x1000, s21  }
0x66: {  	s18 =	sadd.s32 $0x1, s18  }
0x67: {  	p0 =	sne.s32 s18, $0x8  }
.Ltmp4:
0x68: {  	[tilespmem:s19+$0xB0] =	vst v0;
	(pc) =	sbr.rel @p0 .LBB1_3-.Ltmp4, $4  }
0x69: {  	[tilespmem:s19+$0xC0] =	vst v1  }
0x6a: {  	[tilespmem:s19+$0xD0] =	vst v3  }
0x6b: {  	[tilespmem:s19+$0xE0] =	vst v4  }
0x6c: {  	s16 =	sadd.s32 $0x800, s16;
	s17 =	sadd.s32 $0x80, s17;
	[tilespmem:s19+$0xFFFFFF00] =	vst v2  }
.Ltmp5:
0x6d: {  	(pc) =	sbr.rel .LBB1_7-.Ltmp5, $4  }
0x6e: {  	s14 =	sshll.u32 s14, $0x9;
	s16 =	sshrl.u32 s13, $0x3;
	s31 =	sand.u32 $0x7, s13  }
0x6f: {  	s16 =	sand.u32 $0x1FF, s16;
	s14 =	sadd.s32 s2, s14;
	s13 =	sshll.u32 s31, $0x12  }
0x70: {  	s14 =	sadd.s32 s16, s14;
	s13 =	sor.u32 $0x800, s13  }
0x71: {  	[hbm4b:s14+s13] =	stream.strided.scatter [tilespmem:s15], [sflag:$0x2], $0x4000, s8, s13, $0x38;
	[tilespmem:$0x10000] =	vst v63  }
.LBB1_8:
0x72: {  	_ =	sfence.sel $0x180000  }
0x73: {  	s2 =	simm.s32 $0x1;
	[bflag:$0x0] =	sbarrier.arrive $0xFFFF  }
0x74: {  	s31 =	simm.s32 $0x2;
	[sflag:s2] =	ssyncpa.u1 $0x1  }
0x75: {  	[sflag:s31] =	ssyncpa.u1 $0x1  }
0x76: {  	p0 =	sne.s32 s0, $0x0;
	_ =	strace $0x9000004A  }
0x77: {  	s0 =	sadd.s32 @!p0 $0x100000, s1;
	[bflag:$0x2] =	sbarrier.arrive $0xFFFF  }
0x78: {  	[sflag:s0] =	ssyncadd.tile.s32 @!p0 $0x1;
	_ =	shalt  }
.Lfunc_end1:
_tile_overlayer_lowered:
.L_overlay_start_2:
0x79: {  	(tag) =	ssettag $0x2  }
0x7a: {  	s0 =	rddreg [dreg:$0x0];
	s2 =	stileid.u32  }
0x7b: {  	s1 =	rddreg [dreg:$0x1];
	p0 =	sne.s32 s2, $0x0  }
0x7c: {  	s3 =	rddreg [dreg:$0x2];
	[bflag:$0x3] =	sbarrier.arrive $0xFFFF;
	s2 =	simm.s32 @!p0 $0x1C01  }
0x7d: {  	[timem:s3], [sflag:s2] =	dma.local @!p0 [hbm:s0], s1  }
0x7e: {  	s0 =	simm.s32 @!p0 $0x1  }
0x7f: {  	_ =	swait.ge @!p0 [sflag:s0], s1  }
0x80: {  	s1 =	ssub.s32 @!p0 $0x0, s1;
	[sflag:s0] =	ssyncset.done @!p0 $0x0  }
0x81: {  	[sflag:s0] =	ssyncadd.s32 @!p0 s1  }
0x82: {  	[bflag:$0x3] =	sbarrier.arrive $0xFFFF  }
0x83: {  	_ =	shalt  }

</sc_bundles>
